<compile_context>
chip_gen: v7x
topology: tpu7x:2x2x1
jax: 0.10.2.dev20260603
libtpu: 0.0.44.dev20260713+nightly
codegen_flags: <defaults>
</compile_context>

<pallas_src>
import functools

import jax
import jax.numpy as jnp
from jax import lax
from jax.experimental import pallas as pl
from jax.experimental.pallas import tpu as pltpu
from jax.experimental.pallas import tpu_sc as plsc

N_ROWS = 1_000_000
D = 64
B_TOTAL = 4096 * 200

NC = 2
NS = 16
NW = NC * NS
B_PER_W = B_TOTAL // NW
CHUNK = 400
N_CHUNKS = B_PER_W // CHUNK
NBUF = 4


def _embed_body(table_hbm, idx_hbm, out_hbm, idx_all,
                buf0, buf1, buf2, buf3,
                gsem0, gsem1, gsem2, gsem3,
                ssem0, ssem1, ssem2, ssem3):
    wid = lax.axis_index("s") * NC + lax.axis_index("c")
    base = wid * B_PER_W
    pltpu.sync_copy(idx_hbm.at[pl.ds(base, B_PER_W)], idx_all)

    bufs = (buf0, buf1, buf2, buf3)
    gsems = (gsem0, gsem1, gsem2, gsem3)
    ssems = (ssem0, ssem1, ssem2, ssem3)

    def gather(i, b):
        pltpu.async_copy(
            table_hbm.at[idx_all.at[pl.ds(i * CHUNK, CHUNK)]], bufs[b], gsems[b])

    def store(i, b):
        pltpu.async_copy(
            bufs[b],
            out_hbm.at[pl.ds(base + i * CHUNK, CHUNK), pl.ds(0, D)],
            ssems[b])

    def wait_g(b):
        pltpu.make_async_copy(table_hbm.at[pl.ds(base, CHUNK)], bufs[b],
                              gsems[b]).wait()

    def wait_s(b):
        pltpu.make_async_copy(bufs[b],
                              out_hbm.at[pl.ds(base, CHUNK), pl.ds(0, D)],
                              ssems[b]).wait()

    gather(0, 0)
    gather(1, 1)
    gather(2, 2)
    wait_g(0)
    store(0, 0)
    gather(3, 3)

    @pl.loop(0, (N_CHUNKS - 4) // NBUF)
    def _(k):
        for s in range(NBUF):
            i = NBUF * k + 1 + s
            b = (1 + s) % NBUF
            wait_g(b)
            store(i, b)
            wait_s((b + 3) % NBUF)
            gather(i + 3, (b + 3) % NBUF)

    for s in range(3):
        i = N_CHUNKS - 3 + s
        wait_g(i % NBUF)
        store(i, i % NBUF)
    for b in range(NBUF):
        wait_s(b)


@jax.jit
def _embed(x2_flat, table2):
    mesh = plsc.VectorSubcoreMesh(core_axis_name="c", subcore_axis_name="s")
    out = pl.kernel(
        _embed_body,
        out_type=jax.ShapeDtypeStruct((B_TOTAL, 2 * D), jnp.float32),
        mesh=mesh,
        scratch_types=(
            [pltpu.VMEM((B_PER_W,), jnp.int32)]
            + [pltpu.VMEM((CHUNK, D), jnp.float32)] * NBUF
            + [pltpu.SemaphoreType.DMA] * (2 * NBUF)
        ),
        compiler_params=pltpu.CompilerParams(use_tc_tiling_on_sc=False),
    )(table2, x2_flat)
    return out


def kernel(x, table):
    table2 = jnp.pad(table, ((0, 0), (0, D))).reshape(2 * N_ROWS, D)
    x2 = x.reshape(-1) * 2
    out = _embed(x2, table2)
    return out.reshape(x.shape[0], x.shape[1], 2 * D)[:, :, :D]

# --- scband reference (transcript-rebuilt; emitter-appended) ---
"""Pipeline reference for scband-embeder-2800318677560 (READ-ONLY COPY).

The authoritative reference and input builder live on the scoring server;
editing this copy changes nothing except your own understanding.
"""

import jax, jax.numpy as jnp
import numpy as np
from math import sqrt

N_SYMBOLS = 1000000
EMB_DIM = 64

def setup_inputs(seed: int = 0) -> dict:
    key = jax.random.key(seed)
    k1, k2 = jax.random.split(key)
    x = jax.random.randint(k1, (4096, 200), 0, N_SYMBOLS, dtype=jnp.int64 if jax.config.jax_enable_x64 else jnp.int32).astype(jnp.int32)
    std = sqrt(2.0 / (N_SYMBOLS + EMB_DIM))
    val = sqrt(3.0) * std
    table = jax.random.uniform(k2, (N_SYMBOLS, EMB_DIM), dtype=jnp.float32, minval=-val, maxval=val)
    return {"x": x, "table": table}

def reference(x, table):
    # Embeder.forward with end_symbols_ids == [] reduces to a plain embedding lookup
    emb = jnp.take(table, x, axis=0)
    return emb

if __name__ == "__main__":
    import jax
    _d = setup_inputs()
    print(jax.jit(kernel)(*tuple(_d.values())))

</pallas_src>

<mosaic_0001>
#map = affine_map<(d0, d1) -> (0, 0)>
#map1 = affine_map<(d0, d1) -> (0)>
module attributes {stable_mosaic.version = 14 : i64} {
  func.func @_embed_body(%arg0: i32, %arg1: i32, %arg2: memref<2000000x64xf32, #tpu.memory_space<hbm>>, %arg3: memref<819200xi32, #tpu.memory_space<hbm>>, %arg4: memref<819200x128xf32, #tpu.memory_space<hbm>>, %arg5: memref<25600xi32, #tpu.memory_space<vmem>>, %arg6: memref<400x64xf32, #tpu.memory_space<vmem>>, %arg7: memref<400x64xf32, #tpu.memory_space<vmem>>, %arg8: memref<400x64xf32, #tpu.memory_space<vmem>>, %arg9: memref<400x64xf32, #tpu.memory_space<vmem>>, %arg10: memref<!tpu.dma_semaphore, #tpu.memory_space<semaphore_mem>>, %arg11: memref<!tpu.dma_semaphore, #tpu.memory_space<semaphore_mem>>, %arg12: memref<!tpu.dma_semaphore, #tpu.memory_space<semaphore_mem>>, %arg13: memref<!tpu.dma_semaphore, #tpu.memory_space<semaphore_mem>>, %arg14: memref<!tpu.dma_semaphore, #tpu.memory_space<semaphore_mem>>, %arg15: memref<!tpu.dma_semaphore, #tpu.memory_space<semaphore_mem>>, %arg16: memref<!tpu.dma_semaphore, #tpu.memory_space<semaphore_mem>>, %arg17: memref<!tpu.dma_semaphore, #tpu.memory_space<semaphore_mem>>) attributes {dimension_semantics = [#tpu.dimension_semantics<core_parallel>, #tpu.dimension_semantics<subcore_parallel>], iteration_bounds = array<i64: 2, 16>, scalar_prefetch = 0 : i64, scratch_operands = 13 : i64, tpu.core_type = #tpu.core_type<sc_vector_subcore>, window_params = [{transform_indices = #map}, {transform_indices = #map1}, {transform_indices = #map}]} {
    %mul3A = arith.constant 2 : i32
    %mul3A_0 = arith.muli %arg1, %mul3A : i32
    %add3A = arith.addi %mul3A_0, %arg0 : i32
    %mul3A_1 = arith.constant 25600 : i32
    %mul3A_2 = arith.muli %add3A, %mul3A_1 : i32
    "tpu.region"() ({
      %run_scoped3A = tpu.sem_alloc : memref<!tpu.dma_semaphore, #tpu.memory_space<semaphore_mem>>
      %dma_start3A_81 = tpu.memref_slice %arg3[%mul3A_2] : memref<819200xi32, #tpu.memory_space<hbm>> -> memref<25600xi32, #tpu.memory_space<hbm>>
      %dma_start3A_82 = tpu.memref_slice %arg3[%mul3A_2] : memref<819200xi32, #tpu.memory_space<hbm>> -> memref<25600xi32, #tpu.memory_space<hbm>>
      tpu.enqueue_dma source(%dma_start3A_82 : memref<25600xi32, #tpu.memory_space<hbm>>) target(%arg5 : memref<25600xi32, #tpu.memory_space<vmem>>) target_semaphore(%run_scoped3A : memref<!tpu.dma_semaphore, #tpu.memory_space<semaphore_mem>>)
      %dma_wait3A_83 = tpu.memref_slice %arg3[%mul3A_2] : memref<819200xi32, #tpu.memory_space<hbm>> -> memref<25600xi32, #tpu.memory_space<hbm>>
      %dma_wait3A_84 = tpu.memref_slice %arg3[%mul3A_2] : memref<819200xi32, #tpu.memory_space<hbm>> -> memref<25600xi32, #tpu.memory_space<hbm>>
      tpu.wait_dma2 semaphore(%run_scoped3A : memref<!tpu.dma_semaphore, #tpu.memory_space<semaphore_mem>>) src(%dma_wait3A_84 : memref<25600xi32, #tpu.memory_space<hbm>>) dst(%arg5 : memref<25600xi32, #tpu.memory_space<vmem>>)
      tpu.yield
    }) : () -> ()
    %dma_start3A = arith.constant 0 : i32
    %dma_start3A_3 = tpu.memref_slice %arg5[%dma_start3A] : memref<25600xi32, #tpu.memory_space<vmem>> -> memref<400xi32, #tpu.memory_space<vmem>>
    %dma_start3A_4 = arith.constant 0 : i32
    %dma_start3A_5 = arith.constant 0 : i32
    %dma_start3A_6 = tpu.memref_slice %arg2[%dma_start3A_4, %dma_start3A_5] : memref<2000000x64xf32, #tpu.memory_space<hbm>> -> memref<2000000x64xf32, #tpu.memory_space<hbm>>
    tpu.enqueue_indirect_dma source(%dma_start3A_6 : memref<2000000x64xf32, #tpu.memory_space<hbm>>) target(%arg6 : memref<400x64xf32, #tpu.memory_space<vmem>>) offsets(%dma_start3A_3 : memref<400xi32, #tpu.memory_space<vmem>>) semaphore(%arg10 : memref<!tpu.dma_semaphore, #tpu.memory_space<semaphore_mem>>)
    %dma_start3A_7 = arith.constant 400 : i32
    %dma_start3A_8 = tpu.memref_slice %arg5[%dma_start3A_7] : memref<25600xi32, #tpu.memory_space<vmem>> -> memref<400xi32, #tpu.memory_space<vmem>>
    %dma_start3A_9 = arith.constant 0 : i32
    %dma_start3A_10 = arith.constant 0 : i32
    %dma_start3A_11 = tpu.memref_slice %arg2[%dma_start3A_9, %dma_start3A_10] : memref<2000000x64xf32, #tpu.memory_space<hbm>> -> memref<2000000x64xf32, #tpu.memory_space<hbm>>
    tpu.enqueue_indirect_dma source(%dma_start3A_11 : memref<2000000x64xf32, #tpu.memory_space<hbm>>) target(%arg7 : memref<400x64xf32, #tpu.memory_space<vmem>>) offsets(%dma_start3A_8 : memref<400xi32, #tpu.memory_space<vmem>>) semaphore(%arg11 : memref<!tpu.dma_semaphore, #tpu.memory_space<semaphore_mem>>)
    %dma_start3A_12 = arith.constant 800 : i32
    %dma_start3A_13 = tpu.memref_slice %arg5[%dma_start3A_12] : memref<25600xi32, #tpu.memory_space<vmem>> -> memref<400xi32, #tpu.memory_space<vmem>>
    %dma_start3A_14 = arith.constant 0 : i32
    %dma_start3A_15 = arith.constant 0 : i32
    %dma_start3A_16 = tpu.memref_slice %arg2[%dma_start3A_14, %dma_start3A_15] : memref<2000000x64xf32, #tpu.memory_space<hbm>> -> memref<2000000x64xf32, #tpu.memory_space<hbm>>
    tpu.enqueue_indirect_dma source(%dma_start3A_16 : memref<2000000x64xf32, #tpu.memory_space<hbm>>) target(%arg8 : memref<400x64xf32, #tpu.memory_space<vmem>>) offsets(%dma_start3A_13 : memref<400xi32, #tpu.memory_space<vmem>>) semaphore(%arg12 : memref<!tpu.dma_semaphore, #tpu.memory_space<semaphore_mem>>)
    %dma_wait3A = arith.constant 0 : i32
    %dma_wait3A_17 = tpu.memref_slice %arg2[%mul3A_2, %dma_wait3A] : memref<2000000x64xf32, #tpu.memory_space<hbm>> -> memref<400x64xf32, #tpu.memory_space<hbm>>
    %dma_wait3A_18 = arith.constant 0 : i32
    %dma_wait3A_19 = tpu.memref_slice %arg2[%mul3A_2, %dma_wait3A_18] : memref<2000000x64xf32, #tpu.memory_space<hbm>> -> memref<400x64xf32, #tpu.memory_space<hbm>>
    tpu.wait_dma2 semaphore(%arg10 : memref<!tpu.dma_semaphore, #tpu.memory_space<semaphore_mem>>) src(%dma_wait3A_19 : memref<400x64xf32, #tpu.memory_space<hbm>>) dst(%arg6 : memref<400x64xf32, #tpu.memory_space<vmem>>)
    %add3A_20 = arith.constant 0 : i32
    %add3A_21 = arith.addi %mul3A_2, %add3A_20 : i32
    %dma_start3A_22 = arith.constant 0 : i32
    %dma_start3A_23 = tpu.memref_slice %arg4[%add3A_21, %dma_start3A_22] : memref<819200x128xf32, #tpu.memory_space<hbm>> -> memref<400x64xf32, #tpu.memory_space<hbm>>
    %dma_start3A_24 = arith.constant 0 : i32
    %dma_start3A_25 = tpu.memref_slice %arg4[%add3A_21, %dma_start3A_24] : memref<819200x128xf32, #tpu.memory_space<hbm>> -> memref<400x64xf32, #tpu.memory_space<hbm>>
    tpu.enqueue_dma source(%arg6 : memref<400x64xf32, #tpu.memory_space<vmem>>) target(%dma_start3A_25 : memref<400x64xf32, #tpu.memory_space<hbm>>) target_semaphore(%arg14 : memref<!tpu.dma_semaphore, #tpu.memory_space<semaphore_mem>>)
    %dma_start3A_26 = arith.constant 1200 : i32
    %dma_start3A_27 = tpu.memref_slice %arg5[%dma_start3A_26] : memref<25600xi32, #tpu.memory_space<vmem>> -> memref<400xi32, #tpu.memory_space<vmem>>
    %dma_start3A_28 = arith.constant 0 : i32
    %dma_start3A_29 = arith.constant 0 : i32
    %dma_start3A_30 = tpu.memref_slice %arg2[%dma_start3A_28, %dma_start3A_29] : memref<2000000x64xf32, #tpu.memory_space<hbm>> -> memref<2000000x64xf32, #tpu.memory_space<hbm>>
    tpu.enqueue_indirect_dma source(%dma_start3A_30 : memref<2000000x64xf32, #tpu.memory_space<hbm>>) target(%arg9 : memref<400x64xf32, #tpu.memory_space<vmem>>) offsets(%dma_start3A_27 : memref<400xi32, #tpu.memory_space<vmem>>) semaphore(%arg13 : memref<!tpu.dma_semaphore, #tpu.memory_space<semaphore_mem>>)
    %scan3A = arith.constant 0 : i32
    %scan3A_31 = arith.constant 15 : i32
    %scan3A_32 = arith.addi %scan3A, %scan3A_31 : i32
    %scan3A_33 = arith.constant 1 : i32
    scf.for %scan3A_81 = %scan3A to %scan3A_32 step %scan3A_33  : i32 {
      %mul3A_82 = arith.constant 1 : i32
      %mul3A_83 = arith.muli %scan3A_81, %mul3A_82 : i32
      %add3A_84 = arith.constant 0 : i32
      %add3A_85 = arith.addi %add3A_84, %mul3A_83 : i32
      %mul3A_86 = arith.constant 4 : i32
      %mul3A_87 = arith.muli %mul3A_86, %add3A_85 : i32
      %add3A_88 = arith.constant 1 : i32
      %add3A_89 = arith.addi %mul3A_87, %add3A_88 : i32
      %add3A_90 = arith.constant 0 : i32
      %add3A_91 = arith.addi %add3A_89, %add3A_90 : i32
      %dma_wait3A_92 = arith.constant 0 : i32
      %dma_wait3A_93 = tpu.memref_slice %arg2[%mul3A_2, %dma_wait3A_92] : memref<2000000x64xf32, #tpu.memory_space<hbm>> -> memref<400x64xf32, #tpu.memory_space<hbm>>
      %dma_wait3A_94 = arith.constant 0 : i32
      %dma_wait3A_95 = tpu.memref_slice %arg2[%mul3A_2, %dma_wait3A_94] : memref<2000000x64xf32, #tpu.memory_space<hbm>> -> memref<400x64xf32, #tpu.memory_space<hbm>>
      tpu.wait_dma2 semaphore(%arg11 : memref<!tpu.dma_semaphore, #tpu.memory_space<semaphore_mem>>) src(%dma_wait3A_95 : memref<400x64xf32, #tpu.memory_space<hbm>>) dst(%arg7 : memref<400x64xf32, #tpu.memory_space<vmem>>)
      %mul3A_96 = arith.constant 400 : i32
      %mul3A_97 = arith.muli %add3A_91, %mul3A_96 : i32
      %add3A_98 = arith.addi %mul3A_2, %mul3A_97 : i32
      %dma_start3A_99 = arith.constant 0 : i32
      %dma_start3A_100 = tpu.memref_slice %arg4[%add3A_98, %dma_start3A_99] : memref<819200x128xf32, #tpu.memory_space<hbm>> -> memref<400x64xf32, #tpu.memory_space<hbm>>
      %dma_start3A_101 = arith.constant 0 : i32
      %dma_start3A_102 = tpu.memref_slice %arg4[%add3A_98, %dma_start3A_101] : memref<819200x128xf32, #tpu.memory_space<hbm>> -> memref<400x64xf32, #tpu.memory_space<hbm>>
      tpu.enqueue_dma source(%arg7 : memref<400x64xf32, #tpu.memory_space<vmem>>) target(%dma_start3A_102 : memref<400x64xf32, #tpu.memory_space<hbm>>) target_semaphore(%arg15 : memref<!tpu.dma_semaphore, #tpu.memory_space<semaphore_mem>>)
      %dma_wait3A_103 = arith.constant 0 : i32
      %dma_wait3A_104 = tpu.memref_slice %arg4[%mul3A_2, %dma_wait3A_103] : memref<819200x128xf32, #tpu.memory_space<hbm>> -> memref<400x64xf32, #tpu.memory_space<hbm>>
      %dma_wait3A_105 = arith.constant 0 : i32
      %dma_wait3A_106 = tpu.memref_slice %arg4[%mul3A_2, %dma_wait3A_105] : memref<819200x128xf32, #tpu.memory_space<hbm>> -> memref<400x64xf32, #tpu.memory_space<hbm>>
      tpu.wait_dma2 semaphore(%arg14 : memref<!tpu.dma_semaphore, #tpu.memory_space<semaphore_mem>>) src(%arg6 : memref<400x64xf32, #tpu.memory_space<vmem>>) dst(%dma_wait3A_106 : memref<400x64xf32, #tpu.memory_space<hbm>>)
      %add3A_107 = arith.constant 3 : i32
      %add3A_108 = arith.addi %add3A_91, %add3A_107 : i32
      %mul3A_109 = arith.constant 400 : i32
      %mul3A_110 = arith.muli %add3A_108, %mul3A_109 : i32
      %dma_start3A_111 = tpu.memref_slice %arg5[%mul3A_110] : memref<25600xi32, #tpu.memory_space<vmem>> -> memref<400xi32, #tpu.memory_space<vmem>>
      %dma_start3A_112 = arith.constant 0 : i32
      %dma_start3A_113 = arith.constant 0 : i32
      %dma_start3A_114 = tpu.memref_slice %arg2[%dma_start3A_112, %dma_start3A_113] : memref<2000000x64xf32, #tpu.memory_space<hbm>> -> memref<2000000x64xf32, #tpu.memory_space<hbm>>
      tpu.enqueue_indirect_dma source(%dma_start3A_114 : memref<2000000x64xf32, #tpu.memory_space<hbm>>) target(%arg6 : memref<400x64xf32, #tpu.memory_space<vmem>>) offsets(%dma_start3A_111 : memref<400xi32, #tpu.memory_space<vmem>>) semaphore(%arg10 : memref<!tpu.dma_semaphore, #tpu.memory_space<semaphore_mem>>)
      %mul3A_115 = arith.constant 4 : i32
      %mul3A_116 = arith.muli %mul3A_115, %add3A_85 : i32
      %add3A_117 = arith.constant 1 : i32
      %add3A_118 = arith.addi %mul3A_116, %add3A_117 : i32
      %add3A_119 = arith.constant 1 : i32
      %add3A_120 = arith.addi %add3A_118, %add3A_119 : i32
      %dma_wait3A_121 = arith.constant 0 : i32
      %dma_wait3A_122 = tpu.memref_slice %arg2[%mul3A_2, %dma_wait3A_121] : memref<2000000x64xf32, #tpu.memory_space<hbm>> -> memref<400x64xf32, #tpu.memory_space<hbm>>
      %dma_wait3A_123 = arith.constant 0 : i32
      %dma_wait3A_124 = tpu.memref_slice %arg2[%mul3A_2, %dma_wait3A_123] : memref<2000000x64xf32, #tpu.memory_space<hbm>> -> memref<400x64xf32, #tpu.memory_space<hbm>>
      tpu.wait_dma2 semaphore(%arg12 : memref<!tpu.dma_semaphore, #tpu.memory_space<semaphore_mem>>) src(%dma_wait3A_124 : memref<400x64xf32, #tpu.memory_space<hbm>>) dst(%arg8 : memref<400x64xf32, #tpu.memory_space<vmem>>)
      %mul3A_125 = arith.constant 400 : i32
      %mul3A_126 = arith.muli %add3A_120, %mul3A_125 : i32
      %add3A_127 = arith.addi %mul3A_2, %mul3A_126 : i32
      %dma_start3A_128 = arith.constant 0 : i32
      %dma_start3A_129 = tpu.memref_slice %arg4[%add3A_127, %dma_start3A_128] : memref<819200x128xf32, #tpu.memory_space<hbm>> -> memref<400x64xf32, #tpu.memory_space<hbm>>
      %dma_start3A_130 = arith.constant 0 : i32
      %dma_start3A_131 = tpu.memref_slice %arg4[%add3A_127, %dma_start3A_130] : memref<819200x128xf32, #tpu.memory_space<hbm>> -> memref<400x64xf32, #tpu.memory_space<hbm>>
      tpu.enqueue_dma source(%arg8 : memref<400x64xf32, #tpu.memory_space<vmem>>) target(%dma_start3A_131 : memref<400x64xf32, #tpu.memory_space<hbm>>) target_semaphore(%arg16 : memref<!tpu.dma_semaphore, #tpu.memory_space<semaphore_mem>>)
      %dma_wait3A_132 = arith.constant 0 : i32
      %dma_wait3A_133 = tpu.memref_slice %arg4[%mul3A_2, %dma_wait3A_132] : memref<819200x128xf32, #tpu.memory_space<hbm>> -> memref<400x64xf32, #tpu.memory_space<hbm>>
      %dma_wait3A_134 = arith.constant 0 : i32
      %dma_wait3A_135 = tpu.memref_slice %arg4[%mul3A_2, %dma_wait3A_134] : memref<819200x128xf32, #tpu.memory_space<hbm>> -> memref<400x64xf32, #tpu.memory_space<hbm>>
      tpu.wait_dma2 semaphore(%arg15 : memref<!tpu.dma_semaphore, #tpu.memory_space<semaphore_mem>>) src(%arg7 : memref<400x64xf32, #tpu.memory_space<vmem>>) dst(%dma_wait3A_135 : memref<400x64xf32, #tpu.memory_space<hbm>>)
      %add3A_136 = arith.constant 3 : i32
      %add3A_137 = arith.addi %add3A_120, %add3A_136 : i32
      %mul3A_138 = arith.constant 400 : i32
      %mul3A_139 = arith.muli %add3A_137, %mul3A_138 : i32
      %dma_start3A_140 = tpu.memref_slice %arg5[%mul3A_139] : memref<25600xi32, #tpu.memory_space<vmem>> -> memref<400xi32, #tpu.memory_space<vmem>>
      %dma_start3A_141 = arith.constant 0 : i32
      %dma_start3A_142 = arith.constant 0 : i32
      %dma_start3A_143 = tpu.memref_slice %arg2[%dma_start3A_141, %dma_start3A_142] : memref<2000000x64xf32, #tpu.memory_space<hbm>> -> memref<2000000x64xf32, #tpu.memory_space<hbm>>
      tpu.enqueue_indirect_dma source(%dma_start3A_143 : memref<2000000x64xf32, #tpu.memory_space<hbm>>) target(%arg7 : memref<400x64xf32, #tpu.memory_space<vmem>>) offsets(%dma_start3A_140 : memref<400xi32, #tpu.memory_space<vmem>>) semaphore(%arg11 : memref<!tpu.dma_semaphore, #tpu.memory_space<semaphore_mem>>)
      %mul3A_144 = arith.constant 4 : i32
      %mul3A_145 = arith.muli %mul3A_144, %add3A_85 : i32
      %add3A_146 = arith.constant 1 : i32
      %add3A_147 = arith.addi %mul3A_145, %add3A_146 : i32
      %add3A_148 = arith.constant 2 : i32
      %add3A_149 = arith.addi %add3A_147, %add3A_148 : i32
      %dma_wait3A_150 = arith.constant 0 : i32
      %dma_wait3A_151 = tpu.memref_slice %arg2[%mul3A_2, %dma_wait3A_150] : memref<2000000x64xf32, #tpu.memory_space<hbm>> -> memref<400x64xf32, #tpu.memory_space<hbm>>
      %dma_wait3A_152 = arith.constant 0 : i32
      %dma_wait3A_153 = tpu.memref_slice %arg2[%mul3A_2, %dma_wait3A_152] : memref<2000000x64xf32, #tpu.memory_space<hbm>> -> memref<400x64xf32, #tpu.memory_space<hbm>>
      tpu.wait_dma2 semaphore(%arg13 : memref<!tpu.dma_semaphore, #tpu.memory_space<semaphore_mem>>) src(%dma_wait3A_153 : memref<400x64xf32, #tpu.memory_space<hbm>>) dst(%arg9 : memref<400x64xf32, #tpu.memory_space<vmem>>)
      %mul3A_154 = arith.constant 400 : i32
      %mul3A_155 = arith.muli %add3A_149, %mul3A_154 : i32
      %add3A_156 = arith.addi %mul3A_2, %mul3A_155 : i32
      %dma_start3A_157 = arith.constant 0 : i32
      %dma_start3A_158 = tpu.memref_slice %arg4[%add3A_156, %dma_start3A_157] : memref<819200x128xf32, #tpu.memory_space<hbm>> -> memref<400x64xf32, #tpu.memory_space<hbm>>
      %dma_start3A_159 = arith.constant 0 : i32
      %dma_start3A_160 = tpu.memref_slice %arg4[%add3A_156, %dma_start3A_159] : memref<819200x128xf32, #tpu.memory_space<hbm>> -> memref<400x64xf32, #tpu.memory_space<hbm>>
      tpu.enqueue_dma source(%arg9 : memref<400x64xf32, #tpu.memory_space<vmem>>) target(%dma_start3A_160 : memref<400x64xf32, #tpu.memory_space<hbm>>) target_semaphore(%arg17 : memref<!tpu.dma_semaphore, #tpu.memory_space<semaphore_mem>>)
      %dma_wait3A_161 = arith.constant 0 : i32
      %dma_wait3A_162 = tpu.memref_slice %arg4[%mul3A_2, %dma_wait3A_161] : memref<819200x128xf32, #tpu.memory_space<hbm>> -> memref<400x64xf32, #tpu.memory_space<hbm>>
      %dma_wait3A_163 = arith.constant 0 : i32
      %dma_wait3A_164 = tpu.memref_slice %arg4[%mul3A_2, %dma_wait3A_163] : memref<819200x128xf32, #tpu.memory_space<hbm>> -> memref<400x64xf32, #tpu.memory_space<hbm>>
      tpu.wait_dma2 semaphore(%arg16 : memref<!tpu.dma_semaphore, #tpu.memory_space<semaphore_mem>>) src(%arg8 : memref<400x64xf32, #tpu.memory_space<vmem>>) dst(%dma_wait3A_164 : memref<400x64xf32, #tpu.memory_space<hbm>>)
      %add3A_165 = arith.constant 3 : i32
      %add3A_166 = arith.addi %add3A_149, %add3A_165 : i32
      %mul3A_167 = arith.constant 400 : i32
      %mul3A_168 = arith.muli %add3A_166, %mul3A_167 : i32
      %dma_start3A_169 = tpu.memref_slice %arg5[%mul3A_168] : memref<25600xi32, #tpu.memory_space<vmem>> -> memref<400xi32, #tpu.memory_space<vmem>>
      %dma_start3A_170 = arith.constant 0 : i32
      %dma_start3A_171 = arith.constant 0 : i32
      %dma_start3A_172 = tpu.memref_slice %arg2[%dma_start3A_170, %dma_start3A_171] : memref<2000000x64xf32, #tpu.memory_space<hbm>> -> memref<2000000x64xf32, #tpu.memory_space<hbm>>
      tpu.enqueue_indirect_dma source(%dma_start3A_172 : memref<2000000x64xf32, #tpu.memory_space<hbm>>) target(%arg8 : memref<400x64xf32, #tpu.memory_space<vmem>>) offsets(%dma_start3A_169 : memref<400xi32, #tpu.memory_space<vmem>>) semaphore(%arg12 : memref<!tpu.dma_semaphore, #tpu.memory_space<semaphore_mem>>)
      %mul3A_173 = arith.constant 4 : i32
      %mul3A_174 = arith.muli %mul3A_173, %add3A_85 : i32
      %add3A_175 = arith.constant 1 : i32
      %add3A_176 = arith.addi %mul3A_174, %add3A_175 : i32
      %add3A_177 = arith.constant 3 : i32
      %add3A_178 = arith.addi %add3A_176, %add3A_177 : i32
      %dma_wait3A_179 = arith.constant 0 : i32
      %dma_wait3A_180 = tpu.memref_slice %arg2[%mul3A_2, %dma_wait3A_179] : memref<2000000x64xf32, #tpu.memory_space<hbm>> -> memref<400x64xf32, #tpu.memory_space<hbm>>
      %dma_wait3A_181 = arith.constant 0 : i32
      %dma_wait3A_182 = tpu.memref_slice %arg2[%mul3A_2, %dma_wait3A_181] : memref<2000000x64xf32, #tpu.memory_space<hbm>> -> memref<400x64xf32, #tpu.memory_space<hbm>>
      tpu.wait_dma2 semaphore(%arg10 : memref<!tpu.dma_semaphore, #tpu.memory_space<semaphore_mem>>) src(%dma_wait3A_182 : memref<400x64xf32, #tpu.memory_space<hbm>>) dst(%arg6 : memref<400x64xf32, #tpu.memory_space<vmem>>)
      %mul3A_183 = arith.constant 400 : i32
      %mul3A_184 = arith.muli %add3A_178, %mul3A_183 : i32
      %add3A_185 = arith.addi %mul3A_2, %mul3A_184 : i32
      %dma_start3A_186 = arith.constant 0 : i32
      %dma_start3A_187 = tpu.memref_slice %arg4[%add3A_185, %dma_start3A_186] : memref<819200x128xf32, #tpu.memory_space<hbm>> -> memref<400x64xf32, #tpu.memory_space<hbm>>
      %dma_start3A_188 = arith.constant 0 : i32
      %dma_start3A_189 = tpu.memref_slice %arg4[%add3A_185, %dma_start3A_188] : memref<819200x128xf32, #tpu.memory_space<hbm>> -> memref<400x64xf32, #tpu.memory_space<hbm>>
      tpu.enqueue_dma source(%arg6 : memref<400x64xf32, #tpu.memory_space<vmem>>) target(%dma_start3A_189 : memref<400x64xf32, #tpu.memory_space<hbm>>) target_semaphore(%arg14 : memref<!tpu.dma_semaphore, #tpu.memory_space<semaphore_mem>>)
      %dma_wait3A_190 = arith.constant 0 : i32
      %dma_wait3A_191 = tpu.memref_slice %arg4[%mul3A_2, %dma_wait3A_190] : memref<819200x128xf32, #tpu.memory_space<hbm>> -> memref<400x64xf32, #tpu.memory_space<hbm>>
      %dma_wait3A_192 = arith.constant 0 : i32
      %dma_wait3A_193 = tpu.memref_slice %arg4[%mul3A_2, %dma_wait3A_192] : memref<819200x128xf32, #tpu.memory_space<hbm>> -> memref<400x64xf32, #tpu.memory_space<hbm>>
      tpu.wait_dma2 semaphore(%arg17 : memref<!tpu.dma_semaphore, #tpu.memory_space<semaphore_mem>>) src(%arg9 : memref<400x64xf32, #tpu.memory_space<vmem>>) dst(%dma_wait3A_193 : memref<400x64xf32, #tpu.memory_space<hbm>>)
      %add3A_194 = arith.constant 3 : i32
      %add3A_195 = arith.addi %add3A_178, %add3A_194 : i32
      %mul3A_196 = arith.constant 400 : i32
      %mul3A_197 = arith.muli %add3A_195, %mul3A_196 : i32
      %dma_start3A_198 = tpu.memref_slice %arg5[%mul3A_197] : memref<25600xi32, #tpu.memory_space<vmem>> -> memref<400xi32, #tpu.memory_space<vmem>>
      %dma_start3A_199 = arith.constant 0 : i32
      %dma_start3A_200 = arith.constant 0 : i32
      %dma_start3A_201 = tpu.memref_slice %arg2[%dma_start3A_199, %dma_start3A_200] : memref<2000000x64xf32, #tpu.memory_space<hbm>> -> memref<2000000x64xf32, #tpu.memory_space<hbm>>
      tpu.enqueue_indirect_dma source(%dma_start3A_201 : memref<2000000x64xf32, #tpu.memory_space<hbm>>) target(%arg9 : memref<400x64xf32, #tpu.memory_space<vmem>>) offsets(%dma_start3A_198 : memref<400xi32, #tpu.memory_space<vmem>>) semaphore(%arg13 : memref<!tpu.dma_semaphore, #tpu.memory_space<semaphore_mem>>)
    }
    %scan3A_34 = arith.constant 15 : i32
    %dma_wait3A_35 = arith.constant 0 : i32
    %dma_wait3A_36 = tpu.memref_slice %arg2[%mul3A_2, %dma_wait3A_35] : memref<2000000x64xf32, #tpu.memory_space<hbm>> -> memref<400x64xf32, #tpu.memory_space<hbm>>
    %dma_wait3A_37 = arith.constant 0 : i32
    %dma_wait3A_38 = tpu.memref_slice %arg2[%mul3A_2, %dma_wait3A_37] : memref<2000000x64xf32, #tpu.memory_space<hbm>> -> memref<400x64xf32, #tpu.memory_space<hbm>>
    tpu.wait_dma2 semaphore(%arg11 : memref<!tpu.dma_semaphore, #tpu.memory_space<semaphore_mem>>) src(%dma_wait3A_38 : memref<400x64xf32, #tpu.memory_space<hbm>>) dst(%arg7 : memref<400x64xf32, #tpu.memory_space<vmem>>)
    %add3A_39 = arith.constant 24400 : i32
    %add3A_40 = arith.addi %mul3A_2, %add3A_39 : i32
    %dma_start3A_41 = arith.constant 0 : i32
    %dma_start3A_42 = tpu.memref_slice %arg4[%add3A_40, %dma_start3A_41] : memref<819200x128xf32, #tpu.memory_space<hbm>> -> memref<400x64xf32, #tpu.memory_space<hbm>>
    %dma_start3A_43 = arith.constant 0 : i32
    %dma_start3A_44 = tpu.memref_slice %arg4[%add3A_40, %dma_start3A_43] : memref<819200x128xf32, #tpu.memory_space<hbm>> -> memref<400x64xf32, #tpu.memory_space<hbm>>
    tpu.enqueue_dma source(%arg7 : memref<400x64xf32, #tpu.memory_space<vmem>>) target(%dma_start3A_44 : memref<400x64xf32, #tpu.memory_space<hbm>>) target_semaphore(%arg15 : memref<!tpu.dma_semaphore, #tpu.memory_space<semaphore_mem>>)
    %dma_wait3A_45 = arith.constant 0 : i32
    %dma_wait3A_46 = tpu.memref_slice %arg2[%mul3A_2, %dma_wait3A_45] : memref<2000000x64xf32, #tpu.memory_space<hbm>> -> memref<400x64xf32, #tpu.memory_space<hbm>>
    %dma_wait3A_47 = arith.constant 0 : i32
    %dma_wait3A_48 = tpu.memref_slice %arg2[%mul3A_2, %dma_wait3A_47] : memref<2000000x64xf32, #tpu.memory_space<hbm>> -> memref<400x64xf32, #tpu.memory_space<hbm>>
    tpu.wait_dma2 semaphore(%arg12 : memref<!tpu.dma_semaphore, #tpu.memory_space<semaphore_mem>>) src(%dma_wait3A_48 : memref<400x64xf32, #tpu.memory_space<hbm>>) dst(%arg8 : memref<400x64xf32, #tpu.memory_space<vmem>>)
    %add3A_49 = arith.constant 24800 : i32
    %add3A_50 = arith.addi %mul3A_2, %add3A_49 : i32
    %dma_start3A_51 = arith.constant 0 : i32
    %dma_start3A_52 = tpu.memref_slice %arg4[%add3A_50, %dma_start3A_51] : memref<819200x128xf32, #tpu.memory_space<hbm>> -> memref<400x64xf32, #tpu.memory_space<hbm>>
    %dma_start3A_53 = arith.constant 0 : i32
    %dma_start3A_54 = tpu.memref_slice %arg4[%add3A_50, %dma_start3A_53] : memref<819200x128xf32, #tpu.memory_space<hbm>> -> memref<400x64xf32, #tpu.memory_space<hbm>>
    tpu.enqueue_dma source(%arg8 : memref<400x64xf32, #tpu.memory_space<vmem>>) target(%dma_start3A_54 : memref<400x64xf32, #tpu.memory_space<hbm>>) target_semaphore(%arg16 : memref<!tpu.dma_semaphore, #tpu.memory_space<semaphore_mem>>)
    %dma_wait3A_55 = arith.constant 0 : i32
    %dma_wait3A_56 = tpu.memref_slice %arg2[%mul3A_2, %dma_wait3A_55] : memref<2000000x64xf32, #tpu.memory_space<hbm>> -> memref<400x64xf32, #tpu.memory_space<hbm>>
    %dma_wait3A_57 = arith.constant 0 : i32
    %dma_wait3A_58 = tpu.memref_slice %arg2[%mul3A_2, %dma_wait3A_57] : memref<2000000x64xf32, #tpu.memory_space<hbm>> -> memref<400x64xf32, #tpu.memory_space<hbm>>
    tpu.wait_dma2 semaphore(%arg13 : memref<!tpu.dma_semaphore, #tpu.memory_space<semaphore_mem>>) src(%dma_wait3A_58 : memref<400x64xf32, #tpu.memory_space<hbm>>) dst(%arg9 : memref<400x64xf32, #tpu.memory_space<vmem>>)
    %add3A_59 = arith.constant 25200 : i32
    %add3A_60 = arith.addi %mul3A_2, %add3A_59 : i32
    %dma_start3A_61 = arith.constant 0 : i32
    %dma_start3A_62 = tpu.memref_slice %arg4[%add3A_60, %dma_start3A_61] : memref<819200x128xf32, #tpu.memory_space<hbm>> -> memref<400x64xf32, #tpu.memory_space<hbm>>
    %dma_start3A_63 = arith.constant 0 : i32
    %dma_start3A_64 = tpu.memref_slice %arg4[%add3A_60, %dma_start3A_63] : memref<819200x128xf32, #tpu.memory_space<hbm>> -> memref<400x64xf32, #tpu.memory_space<hbm>>
    tpu.enqueue_dma source(%arg9 : memref<400x64xf32, #tpu.memory_space<vmem>>) target(%dma_start3A_64 : memref<400x64xf32, #tpu.memory_space<hbm>>) target_semaphore(%arg17 : memref<!tpu.dma_semaphore, #tpu.memory_space<semaphore_mem>>)
    %dma_wait3A_65 = arith.constant 0 : i32
    %dma_wait3A_66 = tpu.memref_slice %arg4[%mul3A_2, %dma_wait3A_65] : memref<819200x128xf32, #tpu.memory_space<hbm>> -> memref<400x64xf32, #tpu.memory_space<hbm>>
    %dma_wait3A_67 = arith.constant 0 : i32
    %dma_wait3A_68 = tpu.memref_slice %arg4[%mul3A_2, %dma_wait3A_67] : memref<819200x128xf32, #tpu.memory_space<hbm>> -> memref<400x64xf32, #tpu.memory_space<hbm>>
    tpu.wait_dma2 semaphore(%arg14 : memref<!tpu.dma_semaphore, #tpu.memory_space<semaphore_mem>>) src(%arg6 : memref<400x64xf32, #tpu.memory_space<vmem>>) dst(%dma_wait3A_68 : memref<400x64xf32, #tpu.memory_space<hbm>>)
    %dma_wait3A_69 = arith.constant 0 : i32
    %dma_wait3A_70 = tpu.memref_slice %arg4[%mul3A_2, %dma_wait3A_69] : memref<819200x128xf32, #tpu.memory_space<hbm>> -> memref<400x64xf32, #tpu.memory_space<hbm>>
    %dma_wait3A_71 = arith.constant 0 : i32
    %dma_wait3A_72 = tpu.memref_slice %arg4[%mul3A_2, %dma_wait3A_71] : memref<819200x128xf32, #tpu.memory_space<hbm>> -> memref<400x64xf32, #tpu.memory_space<hbm>>
    tpu.wait_dma2 semaphore(%arg15 : memref<!tpu.dma_semaphore, #tpu.memory_space<semaphore_mem>>) src(%arg7 : memref<400x64xf32, #tpu.memory_space<vmem>>) dst(%dma_wait3A_72 : memref<400x64xf32, #tpu.memory_space<hbm>>)
    %dma_wait3A_73 = arith.constant 0 : i32
    %dma_wait3A_74 = tpu.memref_slice %arg4[%mul3A_2, %dma_wait3A_73] : memref<819200x128xf32, #tpu.memory_space<hbm>> -> memref<400x64xf32, #tpu.memory_space<hbm>>
    %dma_wait3A_75 = arith.constant 0 : i32
    %dma_wait3A_76 = tpu.memref_slice %arg4[%mul3A_2, %dma_wait3A_75] : memref<819200x128xf32, #tpu.memory_space<hbm>> -> memref<400x64xf32, #tpu.memory_space<hbm>>
    tpu.wait_dma2 semaphore(%arg16 : memref<!tpu.dma_semaphore, #tpu.memory_space<semaphore_mem>>) src(%arg8 : memref<400x64xf32, #tpu.memory_space<vmem>>) dst(%dma_wait3A_76 : memref<400x64xf32, #tpu.memory_space<hbm>>)
    %dma_wait3A_77 = arith.constant 0 : i32
    %dma_wait3A_78 = tpu.memref_slice %arg4[%mul3A_2, %dma_wait3A_77] : memref<819200x128xf32, #tpu.memory_space<hbm>> -> memref<400x64xf32, #tpu.memory_space<hbm>>
    %dma_wait3A_79 = arith.constant 0 : i32
    %dma_wait3A_80 = tpu.memref_slice %arg4[%mul3A_2, %dma_wait3A_79] : memref<819200x128xf32, #tpu.memory_space<hbm>> -> memref<400x64xf32, #tpu.memory_space<hbm>>
    tpu.wait_dma2 semaphore(%arg17 : memref<!tpu.dma_semaphore, #tpu.memory_space<semaphore_mem>>) src(%arg9 : memref<400x64xf32, #tpu.memory_space<vmem>>) dst(%dma_wait3A_80 : memref<400x64xf32, #tpu.memory_space<hbm>>)
    return
  }
}

</mosaic_0001>

<sc_bundles>
// kernel: _embed.3.cloned.1.call-start
scs
__scs_entry_jumppad:
0x0: {  	(pc) =	sbr.rel $0x88, $3  }
0x1: {  	(tag) =	ssettag $0x0;
	lr =	simm.s32 $0x1  }
0x2: {  	[smem:$0x3F9F] =	sst lr;
	_ =	strace $0xD0000000  }
0x3: {  	_ = 	snop  }
0x4: {  	_ = 	snop  }
0x5: {  	_ = 	snop  }
0x6: {  	_ = 	snop  }
0x7: {  	_ = 	snop  }
__scs_overlays_trampoline_lowered:
0x8: {  	[smem:$0x3FAE] =	sst s0  }
0x9: {  	[smem:$0x3FAF] =	sst s1  }
0xa: {  	[smem:$0x3FB0] =	sst s2  }
0xb: {  	[smem:$0x3FB1] =	sst s3  }
0xc: {  	[smem:$0x3FB2] =	sst s4  }
0xd: {  	[smem:$0x3FB3] =	sst s5  }
0xe: {  	[smem:$0x3FB4] =	sst s6  }
0xf: {  	[smem:$0x3FB5] =	sst s7  }
0x10: {  	[smem:$0x3FB6] =	sst s8  }
0x11: {  	[smem:$0x3FB7] =	sst s9;
	s0 =	simm.s32 @!p0 $0x0  }
0x12: {  	s1 =	sld [smem:$0x3F9D];
	s0 =	simm.s32 @p0 $0x1  }
0x13: {  	[smem:$0x3FB8] =	sst s0;
	s0 =	simm.s32 @!p1 $0x0  }
0x14: {  	s2 =	sld [smem:$0x3F9C];
	s0 =	simm.s32 @p1 $0x1  }
0x15: {  	[smem:$0x3FB9] =	sst s0;
	s0 =	simm.s32 @!p2 $0x0  }
0x16: {  	s3 =	sld [smem:$0x3FDB];
	s0 =	simm.s32 @p2 $0x1  }
0x17: {  	s4 =	simm.s32 $0x1BF5;
	[smem:$0x3FBB] =	sst s0  }
0x18: {  	s0 =	sld [smem:$0x3F9E];
	_ =	swait.ge [sflag:s4], $0x0  }
0x19: {  	s7 =	sld [smem:$0x3F9F]  }
0x1a: {  	s8 =	sadd.s32 $0xFFFFE003, lr  }
0x1b: {  	s9 =	sadd.s32 $0xFFFFFEF7, lr;
	s5 =	simm.s32 $0xFFFFFFFF;
	p2 =	slt.u32 s8, $0xFFFFF086  }
0x1c: {  	p1 =	slt.u32 s9, $0xF7A;
	s5 =	simm.s32 @!p2 $0x0  }
0x1d: {  	s5 =	simm.s32 @p1 $0x1;
	p0 =	seq.s32 s7, s2  }
0x1e: {  	s7 =	smul.u32 @!p0 $0xF7A, s2;
	p2 =	seq.s32 @!p0 s5, $0x0  }
0x1f: {  	s9 =	smul.u32 $0xF7A, s1;
	s8 =	simm.s32 @!p0 $0x1BF5;
	p2 =	por !p2, p0  }
0x20: {  	[sflag:s8] =	ssyncset.s32 @!p0 $0xFFFFF086;
	s6 =	sadd.s32 @!p0 s3, s7;
	s7 =	simm.s32 @!p0 $0x108  }
0x21: {  	s3 =	sadd.s32 s3, s9;
	s6 =	sadd.s32 @!p0 $0x88, s6;
	s7 =	simm.s32 @p2 $0x1082  }
0x22: {  	[simem:s7], [sflag:s8] =	dma.local @!p0 [hbm:s6], $0xF7A  }
0x23: {  	s9 =	sor.u32 $0xD0000000, s2;
	s6 =	simm.s32 $0x108;
	_ =	swait.ge @!p0 [sflag:s8], $0x0  }
0x24: {  	s3 =	sadd.s32 $0x88, s3;
	s6 =	simm.s32 @!p1 $0x1082;
	[sflag:s4] =	ssyncset.s32 $0xFFFFF086  }
0x25: {  	[simem:s6], [sflag:s4] =	dma.local [hbm:s3], $0xF7A  }
0x26: {  	[smem:$0x3F9F] =	sst s1;
	(tag) =	ssettag s2;
	_ =	strace s9  }
0x27: {  	s1 =	sld [smem:$0x3FAF]  }
0x28: {  	s2 =	sld [smem:$0x3FB0]  }
0x29: {  	s4 =	sld [smem:$0x3FB2]  }
0x2a: {  	p0 =	seq.s32 s5, $0x0;
	s5 =	sld [smem:$0x3FB3]  }
0x2b: {  	s6 =	sld [smem:$0x3FB4]  }
0x2c: {  	s7 =	sld [smem:$0x3FB5]  }
0x2d: {  	s3 =	simm.s32 $0x108;
	s8 =	sld [smem:$0x3FB6]  }
0x2e: {  	s3 =	simm.s32 @!p0 $0x1082;
	s9 =	sld [smem:$0x3FB7]  }
0x2f: {  	lr =	sadd.s32 s0, s3;
	s0 =	sld [smem:$0x3FAE]  }
0x30: {  	s3 =	sld [smem:$0x3FB1]  }
0x31: {  	[smem:$0x3FBA] =	sst s10  }
0x32: {  	s10 =	sld [smem:$0x3FB8];
	_ =	sdelay $0x3  }
0x33: {  	p0 =	seq.s32 s10, $0x1;
	s10 =	sld [smem:$0x3FBA];
	_ =	sdelay $0x3  }
0x34: {  	[smem:$0x3FBA] =	sst s10  }
0x35: {  	s10 =	sld [smem:$0x3FB9];
	_ =	sdelay $0x3  }
0x36: {  	p1 =	seq.s32 s10, $0x1;
	s10 =	sld [smem:$0x3FBA];
	_ =	sdelay $0x3  }
0x37: {  	[smem:$0x3FBA] =	sst s10  }
0x38: {  	s10 =	sld [smem:$0x3FBB]  }
0x39: {  	_ = 	snop;
	(pc) =	sbr.ind lr, $3  }
0x3a: {  	_ = 	snop  }
0x3b: {  	_ = 	snop  }
0x3c: {  	p2 =	seq.s32 s10, $0x1;
	s10 =	sld [smem:$0x3FBA]  }
0x3d: {  	_ =	shalt  }
0x3e: {  	_ =	shalt  }
0x3f: {  	_ =	shalt  }
0x40: {  	_ =	shalt  }
0x41: {  	_ =	shalt  }
0x42: {  	_ =	shalt  }
0x43: {  	_ =	shalt  }
0x44: {  	_ =	shalt  }
0x45: {  	_ =	shalt  }
0x46: {  	_ =	shalt  }
0x47: {  	_ =	shalt  }
0x48: {  	_ =	shalt  }
0x49: {  	_ =	shalt  }
0x4a: {  	_ =	shalt  }
0x4b: {  	_ =	shalt  }
0x4c: {  	_ =	shalt  }
0x4d: {  	_ =	shalt  }
0x4e: {  	_ =	shalt  }
0x4f: {  	_ =	shalt  }
0x50: {  	_ =	shalt  }
0x51: {  	_ =	shalt  }
0x52: {  	_ =	shalt  }
0x53: {  	_ =	shalt  }
0x54: {  	_ =	shalt  }
0x55: {  	_ =	shalt  }
0x56: {  	_ =	shalt  }
0x57: {  	_ =	shalt  }
0x58: {  	_ =	shalt  }
0x59: {  	_ =	shalt  }
0x5a: {  	_ =	shalt  }
0x5b: {  	_ =	shalt  }
0x5c: {  	_ =	shalt  }
0x5d: {  	_ =	shalt  }
0x5e: {  	_ =	shalt  }
0x5f: {  	_ =	shalt  }
0x60: {  	_ =	shalt  }
0x61: {  	_ =	shalt  }
0x62: {  	_ =	shalt  }
0x63: {  	_ =	shalt  }
0x64: {  	_ =	shalt  }
0x65: {  	_ =	shalt  }
0x66: {  	_ =	shalt  }
0x67: {  	_ =	shalt  }
0x68: {  	_ =	shalt  }
0x69: {  	_ =	shalt  }
0x6a: {  	_ =	shalt  }
0x6b: {  	_ =	shalt  }
0x6c: {  	_ =	shalt  }
0x6d: {  	_ =	shalt  }
0x6e: {  	_ =	shalt  }
0x6f: {  	_ =	shalt  }
0x70: {  	_ =	shalt  }
0x71: {  	_ =	shalt  }
0x72: {  	_ =	shalt  }
0x73: {  	_ =	shalt  }
0x74: {  	_ =	shalt  }
0x75: {  	_ =	shalt  }
0x76: {  	_ =	shalt  }
0x77: {  	_ =	shalt  }
0x78: {  	_ =	shalt  }
0x79: {  	_ =	shalt  }
0x7a: {  	_ =	shalt  }
0x7b: {  	_ =	shalt  }
0x7c: {  	_ =	shalt  }
0x7d: {  	_ =	shalt  }
0x7e: {  	_ =	shalt  }
0x7f: {  	_ =	shalt  }
0x80: {  	_ =	shalt  }
0x81: {  	_ =	shalt  }
0x82: {  	_ =	shalt  }
0x83: {  	_ =	shalt  }
0x84: {  	_ =	shalt  }
0x85: {  	_ =	shalt  }
0x86: {  	_ =	shalt  }
0x87: {  	_ =	shalt  }
.Lfunc_end0:
.L_simem_size_0:
called_computation_lowered:
.L_overlay_start_0:
0x88: {  	s2 =	sld [smem:$0x3FD9]  }
0x89: {  	s3 =	sld [smem:$0x3FFE];
	_ =	sdelay $0x1  }
0x8a: {  	s1 =	srdreg.scid  }
0x8b: {  	s0 =	sand.u32 $0x1, s1  }
0x8c: {  	s17 =	sshll.u32 s0, $0xA;
	s2 =	sadd.s32 s3, s2  }
0x8d: {  	s2 =	sadd.s32 s2, s17  }
0x8e: {  	[smem:$0x3FC6] =	sst s2  }
0x8f: {  	_ = 	snop  }
0x90: {  	s2 =	sld [smem:$0x3FC9]  }
0x91: {  	s18 =	sld [smem:$0x3FD0];
	(tm) =	ssettm $0x1  }
0x92: {  	s4 =	sld [smem:$0x3FFB];
	_ =	sdelay $0x3  }
0x93: {  	_ =	strace s4  }
0x94: {  	s4 =	sld [smem:$0x3FFC];
	_ =	sdelay $0x3  }
0x95: {  	_ =	strace s4  }
0x96: {  	s4 =	sld [smem:$0x3FFD];
	_ =	sdelay $0x3  }
0x97: {  	_ =	strace s4  }
0x98: {  	_ =	strace $0x8FFFFFFF  }
0x99: {  	s19 =	sld [smem:$0x3FDB];
	_ =	sdelay $0x1  }
0x9a: {  	s5 =	simm.s32 $_scs_section_size  }
0x9b: {  	s6 =	simm.s32 $_size__tile_overlayer_lowered;
	s7 =	simm.s32 $_tile_overlayer_lowered  }
0x9c: {  	s22 =	simm.s32 $0x1BFF;
	s21 =	sshll.u32 s7, $0x1;
	s4 =	sadd.s32 s5, s19  }
0x9d: {  	s8 =	simm.s32 $0x0;
	s20 =	sshll.u32 s6, $0x1;
	s6 =	sadd.s32 s21, s4  }
0x9e: {  	[timem:s8], [sflag:s22] =	dma.local [hbm:s6], s20  }
0x9f: {  	_ =	swait.ge [sflag:s22], s20  }
0xa0: {  	s5 =	ssub.s32 $0x0, s20;
	[sflag:s22] =	ssyncset.done $0x0  }
0xa1: {  	[sflag:s22] =	ssyncadd.s32 s5;
	_ =	sdelay $0x1  }
0xa2: {  	s23 =	simm.s32 $0x1B8B  }
0xa3: {  	_ =	swait.ge [sflag:s23], $0x1  }
0xa4: {  	[sflag:s23] =	ssyncset.done $0x0  }
0xa5: {  	s25 =	simm.s32 $0x1B8E;
	s24 =	sld [smem:$0x3FFE];
	[sflag:s23] =	ssyncadd.s32 $0xFFFFFFFF  }
0xa6: {  	s26 =	simm.s32 $execute0_lowered;
	[smem:$0x3FD2] =	sst s25  }
0xa7: {  	s6 =	sshll.u32 s26, $0x1;
	_ =	strace $0x80000046;
	[dreg:$0x1] =	wrdreg $0xFFFFFFFF  }
0xa8: {  	s28 =	simm.s32 $_size_execute0_lowered;
	s4 =	sadd.s32 s4, s6;
	[dreg:$0x0] =	wrdreg $0x0  }
0xa9: {  	s6 =	sshll.u32 s28, $0x1;
	[dreg:$0x2] =	wrdreg s4  }
0xaa: {  	[dreg:$0x3] =	wrdreg s6  }
0xab: {  	[dreg:$0x4] =	wrdreg $0xC0  }
0xac: {  	_ =	task [dreg:s8], $0x5FFFF  }
0xad: {  	[dreg:$0x1] =	wrdreg $0xFFFFFFFF  }
0xae: {  	[dreg:$0x0] =	wrdreg $0x60  }
0xaf: {  	[dreg:$0x2] =	wrdreg s24  }
0xb0: {  	[dreg:$0x3] =	wrdreg s2  }
0xb1: {  	[dreg:$0x4] =	wrdreg s18  }
0xb2: {  	[dreg:$0x5] =	wrdreg $0x9  }
0xb3: {  	_ =	task.clear_ibuf [dreg:s8], $0x6FFFF;
	_ =	strace $0x90000046  }
0xb4: {  	s29 =	simm.s32 $0x9;
	_ =	strace $0x80000048  }
0xb5: {  	_ =	swait.ge [sflag:s29], $0x1  }
0xb6: {  	[sflag:s29] =	ssyncadd.s32 $0xFFFFFFFF  }
0xb7: {  	_ =	strace $0x90000048  }
0xb8: {  	_ =	sfence  }
0xb9: {  	s30 =	sld [smem:$0x0];
	_ =	sdelay $0x2  }
0xba: {  	s31 =	sshll.u32 s1, $0xD;
	s1 =	sshrl.u32 s1, $0x2  }
0xbb: {  	s3 =	sand.u32 $0x4000, s31;
	s1 =	sadd.s32 s1, s30  }
0xbc: {  	s0 =	sor.u32 s3, s0;
	s1 =	sshll.u32 s1, $0x11  }
0xbd: {  	s0 =	sor.u32 s1, s0  }
0xbe: {  	s0 =	sadd.s32 $0x8F2B, s0  }
0xbf: {  	[sflag:s0] =	ssyncadd.remote.s32 $0x1  }
0xc0: {  	_ =	sfence.sel $0xFFFF  }
0xc1: {  	[dreg:$0x0] =	wrdreg $0xFFFFFFFF;
	(pc) =	sbr.abs _section_cstart, $3  }
0xc2: {  	[dreg:$0x1] =	wrdreg $0xFFFFFFFF  }
0xc3: {  	_ =	task.clear_ibuf [dreg:s8], $0x2FFFF;
	_ =	strace $0x9FFFFFFF  }
0xc4: {  	(tm) =	ssettm $0x7FFFFFFF  }
0xc5: {  	_ =	shalt  }
tec
execute0_lowered:
.L_overlay_start_1:
0x0: {  	(tag) =	ssettag $0x1  }
0x1: {  	s0 =	rddreg [dreg:$0x0]  }
0x2: {  	s1 =	srdreg.scid;
	s2 =	rddreg [dreg:$0x1]  }
0x3: {  	s10 =	stileid.u32;
	s4 =	rddreg [dreg:$0x2];
	s21 =	simm.s32 $0x0  }
0x4: {  	s14 =	simm.s32 $0x9;
	s15 =	simm.s32 $0x190;
	s16 =	simm.s32 $0x6400  }
0x5: {  	s17 =	simm.s32 $0xC800;
	s19 =	simm.s32 $0x12C00;
	s20 =	simm.s32 $0x1  }
0x6: {  	s28 =	simm.s32 $0x3;
	s29 =	simm.s32 $0x6;
	s30 =	simm.s32 $0x4  }
0x7: {  	s1 =	sand.u32 $0x1, s1;
	s3 =	sshll.u32 s10, $0x1;
	s10 =	smul.u32 $0xC800, s10  }
0x8: {  	s5 =	sor.u32 s1, s3;
	s7 =	ssub.s32 $0x2, s1;
	s1 =	smul.u32 $0x6400, s1  }
0x9: {  	s31 =	simm.s32 $0x7;
	[smem:$0x7FF] =	sst s21;
	s6 =	smul.u32 $0x6400, s5  }
0xa: {  	s21 =	simm.s32 $0x40;
	_ =	strace $0x80000047;
	s8 =	smul.u32 $0x320000, s5  }
0xb: {  	s3 =	sadd.s32 $0x1E84C00, s0;
	s9 =	sshrl.u32 s7, $0x1;
	s5 =	smul.u32 $0x64000, s5  }
0xc: {  	s0 =	simm.s32 $0x0;
	s22 =	ssub.s32 s7, s9;
	s1 =	sadd.s32 s1, s10  }
0xd: {  	s6 =	sshrl.u32 s6, $0x3;
	s23 =	sshrl.u32 s8, $0x3;
	s5 =	sadd.s32 s4, s5  }
0xe: {  	s1 =	sshll.u32 s1, $0x4;
	s9 =	smax.u32 s22, $0x1;
	s22 =	simm.s32 $0x80  }
0xf: {  	s2 =	sadd.s32 s2, s6;
	s24 =	sadd.s32 s4, s23;
	[dreg:$0x5] =	wrdreg s5  }
0x10: {  	s1 =	sadd.s32 s4, s1;
	[dreg:$0x4] =	wrdreg s2;
	s25 =	sadd.s32 $0x5F500, s24  }
0x11: {  	s26 =	sadd.s32 $0x60E00, s24;
	s8 =	sadd.s32 $0x62700, s24;
	s10 =	sadd.s32 $0x4B00, s1  }
0x12: {  	s11 =	sadd.s32 $0x3200, s1;
	s12 =	sadd.s32 $0x1900, s1;
	s13 =	sadd.s32 $0x6400, s1  }
0x13: {  	s24 =	simm.s32 $0x19000;
	s1 =	simm.s32 $0x8;
	[dreg:$0x6] =	wrdreg s25  }
0x14: {  	[dreg:$0x7] =	wrdreg s26;
	s25 =	simm.s32 $0x2;
	s26 =	simm.s32 $0x5  }
.LBB2_1:
0x15: {  	s2 =	simm.s32 $0x0;
	s4 =	rddreg [dreg:$0x4]  }
0x16: {  	[tilespmem:s2], [sflag:$0x9] =	stream.linear.gather [hbm4b:s4+s2], $0x6400, $0x38;
	[tilespmem:$0x1F400] =	vst v63  }
0x17: {  	_ =	swait.ge [sflag:s14], $0x6400  }
0x18: {  	[sflag:s14] =	ssyncset.done $0x0  }
0x19: {  	[sflag:s14] =	ssyncadd.s32 $0xFFFF9C00  }
0x1a: {  	[tilespmem:s16], [sflag:$0x1] =	stream.indirect.gather [hbm4b:s3+s15], $0x40, s2, s15, $0xb8;
	[tilespmem:$0x1F400] =	vst v63  }
0x1b: {  	_ = 	snop  }
0x1c: {  	[tilespmem:s17], [sflag:$0x2] =	stream.indirect.gather [hbm4b:s3+s15], $0x40, s15, s15, $0xb8;
	[tilespmem:$0x1F400] =	vst v63  }
0x1d: {  	s4 =	simm.s32 $0x320  }
0x1e: {  	[tilespmem:s19], [sflag:$0x3] =	stream.indirect.gather [hbm4b:s3+s15], $0x40, s4, s15, $0xb8;
	[tilespmem:$0x1F400] =	vst v63  }
0x1f: {  	_ =	swait.ge [sflag:s20], $0x6400  }
0x20: {  	[sflag:s20] =	ssyncset.done $0x0  }
0x21: {  	s5 =	rddreg [dreg:$0x5];
	[sflag:s20] =	ssyncadd.s32 $0xFFFF9C00  }
0x22: {  	[hbm4b:s5+s21] =	stream.strided.scatter [tilespmem:s16], [sflag:$0x5], $0x6400, s22, s21, $0x38;
	[tilespmem:$0x1F400] =	vst v63  }
0x23: {  	s6 =	simm.s32 $0x4B0  }
0x24: {  	[tilespmem:s24], [sflag:$0x4] =	stream.indirect.gather [hbm4b:s3+s15], $0x40, s6, s15, $0xb8;
	[tilespmem:$0x1F400] =	vst v63  }
0x25: {  	_ =	swait.ge [sflag:s25], $0x6400  }
0x26: {  	[sflag:s25] =	ssyncset.done $0x0  }
0x27: {  	[sflag:s25] =	ssyncadd.s32 $0xFFFF9C00  }
0x28: {  	[hbm4b:s12+s21] =	stream.strided.scatter [tilespmem:s17], [sflag:$0x6], $0x6400, s22, s21, $0x38;
	[tilespmem:$0x1F400] =	vst v63  }
0x29: {  	_ =	swait.ge [sflag:s26], $0x6400  }
0x2a: {  	[sflag:s26] =	ssyncset.done $0x0  }
0x2b: {  	s7 =	simm.s32 $0x640;
	[sflag:s26] =	ssyncadd.s32 $0xFFFF9C00  }
0x2c: {  	[tilespmem:s16], [sflag:$0x1] =	stream.indirect.gather [hbm4b:s3+s15], $0x40, s7, s15, $0xb8;
	[tilespmem:$0x1F400] =	vst v63  }
0x2d: {  	_ =	swait.ge [sflag:s28], $0x6400  }
0x2e: {  	[sflag:s28] =	ssyncset.done $0x0  }
0x2f: {  	[sflag:s28] =	ssyncadd.s32 $0xFFFF9C00  }
0x30: {  	[hbm4b:s11+s21] =	stream.strided.scatter [tilespmem:s19], [sflag:$0x7], $0x6400, s22, s21, $0x38;
	[tilespmem:$0x1F400] =	vst v63  }
0x31: {  	_ =	swait.ge [sflag:s29], $0x6400  }
0x32: {  	[sflag:s29] =	ssyncset.done $0x0  }
0x33: {  	s18 =	simm.s32 $0x7D0;
	[sflag:s29] =	ssyncadd.s32 $0xFFFF9C00  }
0x34: {  	[tilespmem:s17], [sflag:$0x2] =	stream.indirect.gather [hbm4b:s3+s15], $0x40, s18, s15, $0xb8;
	[tilespmem:$0x1F400] =	vst v63  }
0x35: {  	_ =	swait.ge [sflag:s30], $0x6400  }
0x36: {  	[sflag:s30] =	ssyncset.done $0x0  }
0x37: {  	[sflag:s30] =	ssyncadd.s32 $0xFFFF9C00  }
0x38: {  	[hbm4b:s10+s21] =	stream.strided.scatter [tilespmem:s24], [sflag:$0x8], $0x6400, s22, s21, $0x38;
	[tilespmem:$0x1F400] =	vst v63  }
0x39: {  	_ =	swait.ge [sflag:s31], $0x6400  }
0x3a: {  	[sflag:s31] =	ssyncset.done $0x0  }
0x3b: {  	s23 =	simm.s32 $0x960;
	[sflag:s31] =	ssyncadd.s32 $0xFFFF9C00  }
0x3c: {  	[tilespmem:s19], [sflag:$0x3] =	stream.indirect.gather [hbm4b:s3+s15], $0x40, s23, s15, $0xb8;
	[tilespmem:$0x1F400] =	vst v63  }
0x3d: {  	_ =	swait.ge [sflag:s20], $0x6400  }
0x3e: {  	[sflag:s20] =	ssyncset.done $0x0  }
0x3f: {  	[sflag:s20] =	ssyncadd.s32 $0xFFFF9C00  }
0x40: {  	[hbm4b:s13+s21] =	stream.strided.scatter [tilespmem:s16], [sflag:$0x5], $0x6400, s22, s21, $0x38;
	[tilespmem:$0x1F400] =	vst v63  }
0x41: {  	s2 =	sadd.s32 $0x6400, s11;
	s4 =	sadd.s32 $0x6400, s12;
	_ =	swait.ge [sflag:s1], $0x6400  }
0x42: {  	s5 =	sadd.s32 $0x6400, s10;
	s6 =	simm.s32 $0xAF0;
	[sflag:s1] =	ssyncset.done $0x0  }
0x43: {  	s18 =	simm.s32 $0x1900;
	s23 =	sadd.s32 $0x6400, s13;
	[sflag:s1] =	ssyncadd.s32 $0xFFFF9C00  }
.LBB2_2:
0x44: {  	[tilespmem:s24], [sflag:$0x4] =	stream.indirect.gather [hbm4b:s3+s15], $0x40, s6, s15, $0xb8;
	[tilespmem:$0x1F400] =	vst v63  }
0x45: {  	s6 =	smov.u32 s18  }
0x46: {  	p0 =	sne.s32 s18, $0x15E00;
	s18 =	sadd.s32 $0x1900, s18;
	_ =	swait.ge [sflag:s25], $0x6400  }
0x47: {  	[sflag:s25] =	ssyncset.done $0x0  }
0x48: {  	[sflag:s25] =	ssyncadd.s32 $0xFFFF9C00  }
0x49: {  	[hbm4b:s4+s21] =	stream.strided.scatter [tilespmem:s17], [sflag:$0x6], $0x6400, s22, s21, $0x38;
	[tilespmem:$0x1F400] =	vst v63  }
0x4a: {  	_ =	swait.ge [sflag:s26], $0x6400  }
0x4b: {  	s6 =	sshra.s32 s6, $0x2;
	[sflag:s26] =	ssyncset.done $0x0  }
0x4c: {  	s7 =	sadd.s32 $0x640, s6;
	[sflag:s26] =	ssyncadd.s32 $0xFFFF9C00  }
0x4d: {  	[tilespmem:s16], [sflag:$0x1] =	stream.indirect.gather [hbm4b:s3+s15], $0x40, s7, s15, $0xb8;
	[tilespmem:$0x1F400] =	vst v63  }
0x4e: {  	_ =	swait.ge [sflag:s28], $0x6400  }
0x4f: {  	[sflag:s28] =	ssyncset.done $0x0  }
0x50: {  	[sflag:s28] =	ssyncadd.s32 $0xFFFF9C00  }
0x51: {  	[hbm4b:s2+s21] =	stream.strided.scatter [tilespmem:s19], [sflag:$0x7], $0x6400, s22, s21, $0x38;
	[tilespmem:$0x1F400] =	vst v63  }
0x52: {  	_ =	swait.ge [sflag:s29], $0x6400  }
0x53: {  	[sflag:s29] =	ssyncset.done $0x0  }
0x54: {  	s7 =	sadd.s32 $0x7D0, s6;
	[sflag:s29] =	ssyncadd.s32 $0xFFFF9C00  }
0x55: {  	[tilespmem:s17], [sflag:$0x2] =	stream.indirect.gather [hbm4b:s3+s15], $0x40, s7, s15, $0xb8;
	[tilespmem:$0x1F400] =	vst v63  }
0x56: {  	_ =	swait.ge [sflag:s30], $0x6400  }
0x57: {  	[sflag:s30] =	ssyncset.done $0x0  }
0x58: {  	[sflag:s30] =	ssyncadd.s32 $0xFFFF9C00  }
0x59: {  	[hbm4b:s5+s21] =	stream.strided.scatter [tilespmem:s24], [sflag:$0x8], $0x6400, s22, s21, $0x38;
	[tilespmem:$0x1F400] =	vst v63  }
0x5a: {  	_ =	swait.ge [sflag:s31], $0x6400  }
0x5b: {  	[sflag:s31] =	ssyncset.done $0x0  }
0x5c: {  	s7 =	sadd.s32 $0x960, s6;
	[sflag:s31] =	ssyncadd.s32 $0xFFFF9C00  }
0x5d: {  	[tilespmem:s19], [sflag:$0x3] =	stream.indirect.gather [hbm4b:s3+s15], $0x40, s7, s15, $0xb8;
	[tilespmem:$0x1F400] =	vst v63  }
0x5e: {  	_ =	swait.ge [sflag:s20], $0x6400  }
0x5f: {  	[sflag:s20] =	ssyncset.done $0x0  }
.Ltmp0:
0x60: {  	[sflag:s20] =	ssyncadd.s32 $0xFFFF9C00;
	(pc) =	sbr.rel @p0 .LBB2_2-.Ltmp0, $4  }
0x61: {  	[hbm4b:s23+s21] =	stream.strided.scatter [tilespmem:s16], [sflag:$0x5], $0x6400, s22, s21, $0x38;
	[tilespmem:$0x1F400] =	vst v63  }
0x62: {  	s23 =	sadd.s32 $0x6400, s23;
	_ =	swait.ge [sflag:s1], $0x6400  }
0x63: {  	s4 =	sadd.s32 $0x6400, s4;
	s2 =	sadd.s32 $0x6400, s2;
	[sflag:s1] =	ssyncset.done $0x0  }
0x64: {  	s6 =	sadd.s32 $0xAF0, s6;
	s5 =	sadd.s32 $0x6400, s5;
	[sflag:s1] =	ssyncadd.s32 $0xFFFF9C00  }
0x65: {  	[tilespmem:s24], [sflag:$0x4] =	stream.indirect.gather [hbm4b:s3+s15], $0x40, s6, s15, $0xb8;
	[tilespmem:$0x1F400] =	vst v63  }
0x66: {  	_ =	swait.ge [sflag:s25], $0x6400  }
0x67: {  	[sflag:s25] =	ssyncset.done $0x0  }
0x68: {  	s2 =	rddreg [dreg:$0x6];
	[sflag:s25] =	ssyncadd.s32 $0xFFFF9C00  }
0x69: {  	[hbm4b:s2+s21] =	stream.strided.scatter [tilespmem:s17], [sflag:$0x6], $0x6400, s22, s21, $0x38;
	[tilespmem:$0x1F400] =	vst v63  }
0x6a: {  	_ =	swait.ge [sflag:s28], $0x6400  }
0x6b: {  	[sflag:s28] =	ssyncset.done $0x0  }
0x6c: {  	s23 =	rddreg [dreg:$0x7];
	[sflag:s28] =	ssyncadd.s32 $0xFFFF9C00  }
0x6d: {  	[hbm4b:s23+s21] =	stream.strided.scatter [tilespmem:s19], [sflag:$0x7], $0x6400, s22, s21, $0x38;
	[tilespmem:$0x1F400] =	vst v63  }
0x6e: {  	_ =	swait.ge [sflag:s30], $0x6400  }
0x6f: {  	[sflag:s30] =	ssyncset.done $0x0  }
0x70: {  	[sflag:s30] =	ssyncadd.s32 $0xFFFF9C00  }
0x71: {  	[hbm4b:s8+s21] =	stream.strided.scatter [tilespmem:s24], [sflag:$0x8], $0x6400, s22, s21, $0x38;
	[tilespmem:$0x1F400] =	vst v63  }
0x72: {  	_ =	swait.ge [sflag:s26], $0x6400  }
0x73: {  	[sflag:s26] =	ssyncset.done $0x0  }
0x74: {  	[sflag:s26] =	ssyncadd.s32 $0xFFFF9C00  }
0x75: {  	_ =	swait.ge [sflag:s29], $0x6400  }
0x76: {  	[sflag:s29] =	ssyncset.done $0x0  }
0x77: {  	s0 =	sadd.s32 $0x1, s0;
	[sflag:s29] =	ssyncadd.s32 $0xFFFF9C00  }
0x78: {  	p0 =	sne.s32 s0, s9;
	_ =	swait.ge [sflag:s31], $0x6400  }
.Ltmp1:
0x79: {  	[sflag:s31] =	ssyncset.done $0x0;
	(pc) =	sbr.rel @p0 .LBB2_1-.Ltmp1, $4  }
0x7a: {  	[sflag:s31] =	ssyncadd.s32 $0xFFFF9C00  }
0x7b: {  	_ =	swait.ge [sflag:s1], $0x6400  }
0x7c: {  	[sflag:s1] =	ssyncset.done $0x0  }
0x7d: {  	[sflag:s1] =	ssyncadd.s32 $0xFFFF9C00  }
0x7e: {  	_ =	sfence.sel $0x180000  }
0x7f: {  	[bflag:$0x0] =	sbarrier.arrive $0xFFFF  }
0x80: {  	_ =	strace $0x90000047  }
0x81: {  	s0 =	stileid.u32;
	[bflag:$0x2] =	sbarrier.arrive $0xFFFF  }
0x82: {  	p0 =	sne.s32 s0, $0x0;
	s0 =	rddreg [dreg:$0x3]  }
0x83: {  	s0 =	sadd.s32 @!p0 $0x100000, s0  }
0x84: {  	[sflag:s0] =	ssyncadd.tile.s32 @!p0 $0x1;
	_ =	shalt  }
.Lfunc_end2:
_tile_overlayer_lowered:
.L_overlay_start_2:
0x85: {  	(tag) =	ssettag $0x2  }
0x86: {  	s0 =	rddreg [dreg:$0x0];
	s2 =	stileid.u32  }
0x87: {  	s1 =	rddreg [dreg:$0x1];
	p0 =	sne.s32 s2, $0x0  }
0x88: {  	s3 =	rddreg [dreg:$0x2];
	[bflag:$0x3] =	sbarrier.arrive $0xFFFF;
	s2 =	simm.s32 @!p0 $0x1C09  }
0x89: {  	[timem:s3], [sflag:s2] =	dma.local @!p0 [hbm:s0], s1  }
0x8a: {  	s0 =	simm.s32 @!p0 $0x9  }
0x8b: {  	_ =	swait.ge @!p0 [sflag:s0], s1  }
0x8c: {  	s1 =	ssub.s32 @!p0 $0x0, s1;
	[sflag:s0] =	ssyncset.done @!p0 $0x0  }
0x8d: {  	[sflag:s0] =	ssyncadd.s32 @!p0 s1  }
0x8e: {  	[bflag:$0x3] =	sbarrier.arrive $0xFFFF  }
0x8f: {  	_ =	shalt  }

</sc_bundles>
